<compile_context>
chip_gen: v7x
topology: tpu7x:2x2x1
jax: 0.10.2.dev20260603
libtpu: 0.0.44.dev20260713+nightly
codegen_flags: <defaults>
</compile_context>

<pallas_src>
import functools

import jax
import jax.numpy as jnp
from jax import lax
from jax.experimental import pallas as pl
from jax.experimental.pallas import tpu as pltpu
from jax.experimental.pallas import tpu_sc as plsc

_K = 512
_D = 256
_B = 576
_BETA = 0.25
_TEMP = 0.1

_ROWS_PER_WORKER = 48
_NUM_WORKERS = _B // _ROWS_PER_WORKER


def _sc_gather(embedding, label):
    mesh = plsc.VectorSubcoreMesh(
        core_axis_name="c", subcore_axis_name="s", num_cores=1,
        num_subcores=_NUM_WORKERS)

    @functools.partial(
        pl.kernel,
        mesh=mesh,
        out_type=jax.ShapeDtypeStruct((_B, _D), jnp.float32),
        scratch_types=[
            pltpu.VMEM((_ROWS_PER_WORKER,), jnp.int32),
            pltpu.VMEM((_ROWS_PER_WORKER, _D), jnp.float32),
            pltpu.SemaphoreType.DMA,
        ],
    )
    def gather_kernel(table_hbm, idx_hbm, out_hbm, idx_v, rows_v, sem):
        wid = lax.axis_index("s")

        @pl.when(wid < _NUM_WORKERS)
        def _():
            base = wid * _ROWS_PER_WORKER
            pltpu.sync_copy(idx_hbm.at[pl.ds(base, _ROWS_PER_WORKER)], idx_v)
            pltpu.async_copy(table_hbm.at[idx_v], rows_v, sem).wait()
            pltpu.sync_copy(rows_v, out_hbm.at[pl.ds(base, _ROWS_PER_WORKER)])

    return gather_kernel(embedding, label)


def _loss_kernel(x_ref, lab_ref, e_ref, loss_ref):
    x = x_ref[...]
    e = e_ref[...]
    lab = lab_ref[...]

    ohT = (jax.lax.broadcasted_iota(jnp.int32, (_K, _B), 0) == lab).astype(
        jnp.float32)
    p = jax.lax.dot_general(
        ohT, e, (((0,), (0,)), ((), ())),
        preferred_element_type=jnp.float32,
        precision=jax.lax.Precision.HIGHEST)

    mse = jnp.mean((p - x) ** 2)

    qn = x * jax.lax.rsqrt(jnp.sum(x * x, axis=1, keepdims=True))
    en = e * jax.lax.rsqrt(jnp.sum(e * e, axis=1, keepdims=True))
    pn = p * jax.lax.rsqrt(jnp.sum(p * p, axis=1, keepdims=True))

    logits = jax.lax.dot_general(
        qn, en, (((1,), (1,)), ((), ())),
        preferred_element_type=jnp.float32,
        precision=jax.lax.Precision.HIGHEST) * (1.0 / _TEMP)
    pos = jnp.sum(qn * pn, axis=1) * (1.0 / _TEMP)

    m = jnp.max(logits, axis=1)
    lse = jnp.log(jnp.sum(jnp.exp(logits - m[:, None]), axis=1)) + m
    infonce = jnp.mean(lse - pos)

    loss_ref[...] = jnp.reshape(mse * (1.0 + _BETA) + infonce, (1, 1))


def kernel(flat_latents, label, embedding):
    q = _sc_gather(embedding, label)
    loss = pl.pallas_call(
        _loss_kernel,
        out_shape=jax.ShapeDtypeStruct((1, 1), jnp.float32),
    )(flat_latents, label.reshape(1, _B), embedding)
    return q, loss.reshape(())

# --- scband reference (transcript-rebuilt; emitter-appended) ---
"""Pipeline reference for scband-vector-quantizer-5437428597119 (READ-ONLY COPY).

The authoritative reference and input builder live on the scoring server;
editing this copy changes nothing except your own understanding.
"""

import jax, jax.numpy as jnp
import numpy as np

K = 512
D = 256
B = 576
BETA = 0.25
TEMP = 0.1


def setup_inputs(seed: int = 0) -> dict:
    key = jax.random.key(seed)
    k1, k2, k3 = jax.random.split(key, 3)
    flat_latents = jax.random.normal(k1, (B, D), dtype=jnp.float32)
    label = jax.random.randint(k2, (B,), 0, K, dtype=jnp.int32)
    # nn.Embedding(K, D) with weight.data.uniform_(-1/K, 1/K)
    embedding = jax.random.uniform(k3, (K, D), minval=-1.0 / K, maxval=1.0 / K, dtype=jnp.float32)
    return {"flat_latents": flat_latents, "label": label, "embedding": embedding}


def _info_nce_paired(query, positive_key, negative_keys, temperature):
    # standard InfoNCE with paired negatives (info-nce-pytorch semantics):
    # normalize, paired dot products, cross-entropy with positive at index 0, mean reduction
    q = query / jnp.linalg.norm(query, axis=-1, keepdims=True)
    p = positive_key / jnp.linalg.norm(positive_key, axis=-1, keepdims=True)
    n = negative_keys / jnp.linalg.norm(negative_keys, axis=-1, keepdims=True)
    positive_logit = jnp.sum(q * p, axis=-1, keepdims=True)            # [B, 1]
    negative_logits = jnp.einsum('bd,bkd->bk', q, n)                    # [B, K-1]
    logits = jnp.concatenate([positive_logit, negative_logits], axis=1) / temperature
    # cross_entropy(logits, labels=0, reduction='mean')
    loss = jnp.mean(jax.nn.logsumexp(logits, axis=1) - logits[:, 0])
    return loss


def reference(flat_latents, label, embedding):
    # 'train' branch of VectorQuantizer.forward
    Bn = label.shape[0]
    Kn = embedding.shape[0]
    # encoding_one_hot.scatter_(1, labels, 1)
    encoding_one_hot = jax.nn.one_hot(label, Kn, dtype=flat_latents.dtype)  # [B, K]
    positive_key = jnp.matmul(encoding_one_hot, embedding)                   # [B, D]
    # negative_key[i] = embedding with row label[i] removed -> [B, K-1, D]
    base = jnp.arange(Kn - 1, dtype=label.dtype)
    neg_idx = base[None, :] + (base[None, :] >= label[:, None]).astype(label.dtype)  # [B, K-1]
    negative_key = jnp.take(embedding, neg_idx, axis=0)                      # [B, K-1, D] gather
    commitment_loss = jnp.mean((jax.lax.stop_gradient(positive_key) - flat_latents) ** 2)
    embedding_loss = jnp.mean((positive_key - jax.lax.stop_gradient(flat_latents)) ** 2)
    quant_loss = commitment_loss * BETA + embedding_loss
    infonce_loss = _info_nce_paired(flat_latents, positive_key, negative_key, TEMP)
    vq_loss = quant_loss + infonce_loss
    quantized_latents = positive_key.reshape(positive_key.shape[0], -1)
    return (quantized_latents, vq_loss)

if __name__ == "__main__":
    import jax
    _d = setup_inputs()
    print(jax.jit(kernel)(*tuple(_d.values())))

</pallas_src>

<mosaic_0001>
#map = affine_map<(d0, d1) -> (0, 0)>
#map1 = affine_map<(d0, d1) -> (0)>
module attributes {stable_mosaic.version = 14 : i64} {
  func.func @gather_kernel(%arg0: i32, %arg1: i32, %arg2: memref<512x256xf32, #tpu.memory_space<hbm>>, %arg3: memref<576xi32, #tpu.memory_space<hbm>>, %arg4: memref<576x256xf32, #tpu.memory_space<hbm>>, %arg5: memref<48xi32, #tpu.memory_space<vmem>>, %arg6: memref<48x256xf32, #tpu.memory_space<vmem>>, %arg7: memref<!tpu.dma_semaphore, #tpu.memory_space<semaphore_mem>>) attributes {dimension_semantics = [#tpu.dimension_semantics<core_parallel>, #tpu.dimension_semantics<subcore_parallel>], iteration_bounds = array<i64: 1, 12>, scalar_prefetch = 0 : i64, scratch_operands = 3 : i64, tpu.core_type = #tpu.core_type<sc_vector_subcore>, window_params = [{transform_indices = #map}, {transform_indices = #map1}, {transform_indices = #map}]} {
    %lt3A = arith.constant 12 : i32
    %lt3A_0 = arith.cmpi slt, %arg1, %lt3A : i32
    %convert_element_type3A = arith.extui %lt3A_0 : i1 to i32
    %cond3A = arith.constant 0 : i32
    %cond3A_1 = arith.cmpi ne, %convert_element_type3A, %cond3A : i32
    scf.if %cond3A_1 {
      %mul3A = arith.constant 48 : i32
      %mul3A_2 = arith.muli %arg1, %mul3A : i32
      "tpu.region"() ({
        %run_scoped3A = tpu.sem_alloc : memref<!tpu.dma_semaphore, #tpu.memory_space<semaphore_mem>>
        %dma_start3A_7 = tpu.memref_slice %arg3[%mul3A_2] : memref<576xi32, #tpu.memory_space<hbm>> -> memref<48xi32, #tpu.memory_space<hbm>>
        %dma_start3A_8 = tpu.memref_slice %arg3[%mul3A_2] : memref<576xi32, #tpu.memory_space<hbm>> -> memref<48xi32, #tpu.memory_space<hbm>>
        tpu.enqueue_dma source(%dma_start3A_8 : memref<48xi32, #tpu.memory_space<hbm>>) target(%arg5 : memref<48xi32, #tpu.memory_space<vmem>>) target_semaphore(%run_scoped3A : memref<!tpu.dma_semaphore, #tpu.memory_space<semaphore_mem>>)
        %dma_wait3A_9 = tpu.memref_slice %arg3[%mul3A_2] : memref<576xi32, #tpu.memory_space<hbm>> -> memref<48xi32, #tpu.memory_space<hbm>>
        %dma_wait3A_10 = tpu.memref_slice %arg3[%mul3A_2] : memref<576xi32, #tpu.memory_space<hbm>> -> memref<48xi32, #tpu.memory_space<hbm>>
        tpu.wait_dma2 semaphore(%run_scoped3A : memref<!tpu.dma_semaphore, #tpu.memory_space<semaphore_mem>>) src(%dma_wait3A_10 : memref<48xi32, #tpu.memory_space<hbm>>) dst(%arg5 : memref<48xi32, #tpu.memory_space<vmem>>)
        tpu.yield
      }) : () -> ()
      %dma_start3A = arith.constant 0 : i32
      %dma_start3A_3 = arith.constant 0 : i32
      %dma_start3A_4 = tpu.memref_slice %arg2[%dma_start3A, %dma_start3A_3] : memref<512x256xf32, #tpu.memory_space<hbm>> -> memref<512x256xf32, #tpu.memory_space<hbm>>
      tpu.enqueue_indirect_dma source(%dma_start3A_4 : memref<512x256xf32, #tpu.memory_space<hbm>>) target(%arg6 : memref<48x256xf32, #tpu.memory_space<vmem>>) offsets(%arg5 : memref<48xi32, #tpu.memory_space<vmem>>) semaphore(%arg7 : memref<!tpu.dma_semaphore, #tpu.memory_space<semaphore_mem>>)
      %dma_wait3A = arith.constant 0 : i32
      %dma_wait3A_5 = arith.constant 0 : i32
      %dma_wait3A_6 = tpu.memref_slice %arg2[%dma_wait3A, %dma_wait3A_5] : memref<512x256xf32, #tpu.memory_space<hbm>> -> memref<512x256xf32, #tpu.memory_space<hbm>>
      tpu.wait_indirect_dma semaphore(%arg7 : memref<!tpu.dma_semaphore, #tpu.memory_space<semaphore_mem>>) src(%dma_wait3A_6 : memref<512x256xf32, #tpu.memory_space<hbm>>) dst(%arg6 : memref<48x256xf32, #tpu.memory_space<vmem>>)
      "tpu.region"() ({
        %run_scoped3A = tpu.sem_alloc : memref<!tpu.dma_semaphore, #tpu.memory_space<semaphore_mem>>
        %dma_start3A_7 = arith.constant 0 : i32
        %dma_start3A_8 = tpu.memref_slice %arg4[%mul3A_2, %dma_start3A_7] : memref<576x256xf32, #tpu.memory_space<hbm>> -> memref<48x256xf32, #tpu.memory_space<hbm>>
        %dma_start3A_9 = arith.constant 0 : i32
        %dma_start3A_10 = tpu.memref_slice %arg4[%mul3A_2, %dma_start3A_9] : memref<576x256xf32, #tpu.memory_space<hbm>> -> memref<48x256xf32, #tpu.memory_space<hbm>>
        tpu.enqueue_dma source(%arg6 : memref<48x256xf32, #tpu.memory_space<vmem>>) target(%dma_start3A_10 : memref<48x256xf32, #tpu.memory_space<hbm>>) target_semaphore(%run_scoped3A : memref<!tpu.dma_semaphore, #tpu.memory_space<semaphore_mem>>)
        %dma_wait3A_11 = arith.constant 0 : i32
        %dma_wait3A_12 = tpu.memref_slice %arg4[%mul3A_2, %dma_wait3A_11] : memref<576x256xf32, #tpu.memory_space<hbm>> -> memref<48x256xf32, #tpu.memory_space<hbm>>
        %dma_wait3A_13 = arith.constant 0 : i32
        %dma_wait3A_14 = tpu.memref_slice %arg4[%mul3A_2, %dma_wait3A_13] : memref<576x256xf32, #tpu.memory_space<hbm>> -> memref<48x256xf32, #tpu.memory_space<hbm>>
        tpu.wait_dma2 semaphore(%run_scoped3A : memref<!tpu.dma_semaphore, #tpu.memory_space<semaphore_mem>>) src(%arg6 : memref<48x256xf32, #tpu.memory_space<vmem>>) dst(%dma_wait3A_14 : memref<48x256xf32, #tpu.memory_space<hbm>>)
        tpu.yield
      }) : () -> ()
    } else {
    }
    return
  }
}

module attributes {stable_mosaic.version = 14 : i64} {
  func.func @_loss_kernel(%arg0: memref<576x256xf32, #tpu.memory_space<vmem>>, %arg1: memref<1x576xi32, #tpu.memory_space<vmem>>, %arg2: memref<512x256xf32, #tpu.memory_space<vmem>>, %arg3: memref<1x1xf32, #tpu.memory_space<vmem>>) attributes {dimension_semantics = [], scalar_prefetch = 0 : i64, scratch_operands = 0 : i64, tpu.core_type = #tpu.core_type<tc>} {
    %get3A = arith.constant 0 : index
    %get3A_0 = arith.constant 0 : index
    %get3A_1 = vector.load %arg0[%get3A, %get3A_0] : memref<576x256xf32, #tpu.memory_space<vmem>>, vector<576x256xf32>
    %get3A_2 = arith.constant 0 : index
    %get3A_3 = arith.constant 0 : index
    %get3A_4 = vector.load %arg2[%get3A_2, %get3A_3] : memref<512x256xf32, #tpu.memory_space<vmem>>, vector<512x256xf32>
    %get3A_5 = arith.constant 0 : index
    %get3A_6 = arith.constant 0 : index
    %get3A_7 = vector.load %arg1[%get3A_5, %get3A_6] : memref<1x576xi32, #tpu.memory_space<vmem>>, vector<1x576xi32>
    %iota3A = tpu.iota {dimensions = array<i32: 0>} : vector<512x576xi32>
    %eq3A = vector.broadcast %get3A_7 : vector<1x576xi32> to vector<512x576xi32>
    %eq3A_8 = arith.cmpi eq, %iota3A, %eq3A : vector<512x576xi32>
    %convert_element_type3A = arith.extui %eq3A_8 : vector<512x576xi1> to vector<512x576xi32>
    %convert_element_type3A_9 = arith.sitofp %convert_element_type3A : vector<512x576xi32> to vector<512x576xf32>
    %dot_general3A = arith.constant dense<0.000000e+00> : vector<576x256xf32>
    %dot_general3A_10 = tpu.matmul %convert_element_type3A_9, %get3A_4, %dot_general3A {dimension_numbers = #tpu.dot_dimension_numbers<[0], [0], [1], [1], [0, 1, 1, 1], [], []>, precision = #tpu.contract_precision<fp32>, transpose_lhs_hint = false} : vector<512x576xf32>, vector<512x256xf32>, vector<576x256xf32> -> vector<576x256xf32>
    %sub3A = arith.subf %dot_general3A_10, %get3A_1 : vector<576x256xf32>
    %integer_pow3A = arith.mulf %sub3A, %sub3A : vector<576x256xf32>
    %reduce_sum3A = vector.shape_cast %integer_pow3A : vector<576x256xf32> to vector<1x576x256xf32>
    %reduce_sum3A_11 = arith.constant dense<0.000000e+00> : vector<1xf32>
    %reduce_sum3A_12 = vector.multi_reduction <add>, %reduce_sum3A, %reduce_sum3A_11 [1, 2] : vector<1x576x256xf32> to vector<1xf32>
    %reduce_sum3A_13 = vector.shape_cast %reduce_sum3A_12 : vector<1xf32> to vector<1x1x1xf32>
    %reduce_sum3A_14 = vector.extract %reduce_sum3A_13[0, 0, 0] : f32 from vector<1x1x1xf32>
    %div3A = arith.constant 1.474560e+05 : f32
    %div3A_15 = arith.divf %reduce_sum3A_14, %div3A : f32
    %mul3A = arith.mulf %get3A_1, %get3A_1 : vector<576x256xf32>
    %reduce_sum3A_16 = arith.constant dense<0.000000e+00> : vector<576xf32>
    %reduce_sum3A_17 = vector.multi_reduction <add>, %mul3A, %reduce_sum3A_16 [1] : vector<576x256xf32> to vector<576xf32>
    %broadcast_in_dim3A = vector.shape_cast %reduce_sum3A_17 : vector<576xf32> to vector<576x1xf32>
    %rsqrt3A = math.rsqrt %broadcast_in_dim3A : vector<576x1xf32>
    %mul3A_18 = vector.broadcast %rsqrt3A : vector<576x1xf32> to vector<576x256xf32>
    %mul3A_19 = arith.mulf %get3A_1, %mul3A_18 : vector<576x256xf32>
    %mul3A_20 = arith.mulf %get3A_4, %get3A_4 : vector<512x256xf32>
    %reduce_sum3A_21 = arith.constant dense<0.000000e+00> : vector<512xf32>
    %reduce_sum3A_22 = vector.multi_reduction <add>, %mul3A_20, %reduce_sum3A_21 [1] : vector<512x256xf32> to vector<512xf32>
    %broadcast_in_dim3A_23 = vector.shape_cast %reduce_sum3A_22 : vector<512xf32> to vector<512x1xf32>
    %rsqrt3A_24 = math.rsqrt %broadcast_in_dim3A_23 : vector<512x1xf32>
    %mul3A_25 = vector.broadcast %rsqrt3A_24 : vector<512x1xf32> to vector<512x256xf32>
    %mul3A_26 = arith.mulf %get3A_4, %mul3A_25 : vector<512x256xf32>
    %mul3A_27 = arith.mulf %dot_general3A_10, %dot_general3A_10 : vector<576x256xf32>
    %reduce_sum3A_28 = arith.constant dense<0.000000e+00> : vector<576xf32>
    %reduce_sum3A_29 = vector.multi_reduction <add>, %mul3A_27, %reduce_sum3A_28 [1] : vector<576x256xf32> to vector<576xf32>
    %broadcast_in_dim3A_30 = vector.shape_cast %reduce_sum3A_29 : vector<576xf32> to vector<576x1xf32>
    %rsqrt3A_31 = math.rsqrt %broadcast_in_dim3A_30 : vector<576x1xf32>
    %mul3A_32 = vector.broadcast %rsqrt3A_31 : vector<576x1xf32> to vector<576x256xf32>
    %mul3A_33 = arith.mulf %dot_general3A_10, %mul3A_32 : vector<576x256xf32>
    %dot_general3A_34 = arith.constant dense<0.000000e+00> : vector<576x512xf32>
    %dot_general3A_35 = tpu.matmul %mul3A_19, %mul3A_26, %dot_general3A_34 {dimension_numbers = #tpu.dot_dimension_numbers<[1], [1], [0], [0], [0, 0, 1, 0], [], []>, precision = #tpu.contract_precision<fp32>, transpose_lhs_hint = false} : vector<576x256xf32>, vector<512x256xf32>, vector<576x512xf32> -> vector<576x512xf32>
    %mul3A_36 = arith.constant 1.000000e+01 : f32
    %mul3A_37 = vector.broadcast %mul3A_36 : f32 to vector<576x512xf32>
    %mul3A_38 = arith.mulf %dot_general3A_35, %mul3A_37 : vector<576x512xf32>
    %mul3A_39 = arith.mulf %mul3A_19, %mul3A_33 : vector<576x256xf32>
    %reduce_sum3A_40 = arith.constant dense<0.000000e+00> : vector<576xf32>
    %reduce_sum3A_41 = vector.multi_reduction <add>, %mul3A_39, %reduce_sum3A_40 [1] : vector<576x256xf32> to vector<576xf32>
    %mul3A_42 = arith.constant 1.000000e+01 : f32
    %mul3A_43 = vector.broadcast %mul3A_42 : f32 to vector<576xf32>
    %mul3A_44 = arith.mulf %reduce_sum3A_41, %mul3A_43 : vector<576xf32>
    %reduce_max3A = arith.constant dense<0xFF800000> : vector<576xf32>
    %reduce_max3A_45 = vector.multi_reduction <maximumf>, %mul3A_38, %reduce_max3A [1] : vector<576x512xf32> to vector<576xf32>
    %broadcast_in_dim3A_46 = vector.shape_cast %reduce_max3A_45 : vector<576xf32> to vector<576x1xf32>
    %sub3A_47 = vector.broadcast %broadcast_in_dim3A_46 : vector<576x1xf32> to vector<576x512xf32>
    %sub3A_48 = arith.subf %mul3A_38, %sub3A_47 : vector<576x512xf32>
    %exp3A = math.exp %sub3A_48 : vector<576x512xf32>
    %reduce_sum3A_49 = arith.constant dense<0.000000e+00> : vector<576xf32>
    %reduce_sum3A_50 = vector.multi_reduction <add>, %exp3A, %reduce_sum3A_49 [1] : vector<576x512xf32> to vector<576xf32>
    %log3A = math.log %reduce_sum3A_50 : vector<576xf32>
    %add3A = arith.addf %log3A, %reduce_max3A_45 : vector<576xf32>
    %sub3A_51 = arith.subf %add3A, %mul3A_44 : vector<576xf32>
    %reduce_sum3A_52 = vector.shape_cast %sub3A_51 : vector<576xf32> to vector<1x576xf32>
    %reduce_sum3A_53 = arith.constant dense<0.000000e+00> : vector<1xf32>
    %reduce_sum3A_54 = vector.multi_reduction <add>, %reduce_sum3A_52, %reduce_sum3A_53 [1] : vector<1x576xf32> to vector<1xf32>
    %reduce_sum3A_55 = vector.shape_cast %reduce_sum3A_54 : vector<1xf32> to vector<1x1xf32>
    %reduce_sum3A_56 = vector.extract %reduce_sum3A_55[0, 0] : f32 from vector<1x1xf32>
    %div3A_57 = arith.constant 5.760000e+02 : f32
    %div3A_58 = arith.divf %reduce_sum3A_56, %div3A_57 : f32
    %mul3A_59 = arith.constant 1.250000e+00 : f32
    %mul3A_60 = arith.mulf %div3A_15, %mul3A_59 : f32
    %add3A_61 = arith.addf %mul3A_60, %div3A_58 : f32
    %reshape3A = vector.broadcast %add3A_61 : f32 to vector<1x1xf32>
    %swap3A = arith.constant 0 : index
    %swap3A_62 = arith.constant 0 : index
    %swap3A_63 = vector.load %arg3[%swap3A, %swap3A_62] : memref<1x1xf32, #tpu.memory_space<vmem>>, vector<1x1xf32>
    tpu.vector_store %arg3[%swap3A, %swap3A_62], %reshape3A {strides = array<i32>} : memref<1x1xf32, #tpu.memory_space<vmem>>, vector<1x1xf32>,
    return
  }
}

</mosaic_0001>

<sc_bundles>
// kernel: kernel.4.cloned.1.call-start
scs
__scs_entry_jumppad:
0x0: {  	(pc) =	sbr.rel $0x88, $3  }
0x1: {  	(tag) =	ssettag $0x0;
	lr =	simm.s32 $0x1  }
0x2: {  	[smem:$0x3F9E] =	sst lr;
	_ =	strace $0xD0000000  }
0x3: {  	_ = 	snop  }
0x4: {  	_ = 	snop  }
0x5: {  	_ = 	snop  }
0x6: {  	_ = 	snop  }
0x7: {  	_ = 	snop  }
__scs_overlays_trampoline_lowered:
0x8: {  	[smem:$0x3FAD] =	sst s0  }
0x9: {  	[smem:$0x3FAE] =	sst s1  }
0xa: {  	[smem:$0x3FAF] =	sst s2  }
0xb: {  	[smem:$0x3FB0] =	sst s3  }
0xc: {  	[smem:$0x3FB1] =	sst s4  }
0xd: {  	[smem:$0x3FB2] =	sst s5  }
0xe: {  	[smem:$0x3FB3] =	sst s6  }
0xf: {  	[smem:$0x3FB4] =	sst s7  }
0x10: {  	[smem:$0x3FB5] =	sst s8  }
0x11: {  	[smem:$0x3FB6] =	sst s9;
	s0 =	simm.s32 @!p0 $0x0  }
0x12: {  	s1 =	sld [smem:$0x3F9C];
	s0 =	simm.s32 @p0 $0x1  }
0x13: {  	[smem:$0x3FB7] =	sst s0;
	s0 =	simm.s32 @!p1 $0x0  }
0x14: {  	s2 =	sld [smem:$0x3F9B];
	s0 =	simm.s32 @p1 $0x1  }
0x15: {  	[smem:$0x3FB8] =	sst s0;
	s0 =	simm.s32 @!p2 $0x0  }
0x16: {  	s3 =	sld [smem:$0x3FDB];
	s0 =	simm.s32 @p2 $0x1  }
0x17: {  	s4 =	simm.s32 $0x1BF5;
	[smem:$0x3FBA] =	sst s0  }
0x18: {  	s0 =	sld [smem:$0x3F9D];
	_ =	swait.ge [sflag:s4], $0x0  }
0x19: {  	s7 =	sld [smem:$0x3F9E]  }
0x1a: {  	s8 =	sadd.s32 $0xFFFFE003, lr  }
0x1b: {  	s9 =	sadd.s32 $0xFFFFFEF7, lr;
	s5 =	simm.s32 $0xFFFFFFFF;
	p2 =	slt.u32 s8, $0xFFFFF086  }
0x1c: {  	p1 =	slt.u32 s9, $0xF7A;
	s5 =	simm.s32 @!p2 $0x0  }
0x1d: {  	s5 =	simm.s32 @p1 $0x1;
	p0 =	seq.s32 s7, s2  }
0x1e: {  	s7 =	smul.u32 @!p0 $0xF7A, s2;
	p2 =	seq.s32 @!p0 s5, $0x0  }
0x1f: {  	s9 =	smul.u32 $0xF7A, s1;
	s8 =	simm.s32 @!p0 $0x1BF5;
	p2 =	por !p2, p0  }
0x20: {  	[sflag:s8] =	ssyncset.s32 @!p0 $0xFFFFF086;
	s6 =	sadd.s32 @!p0 s3, s7;
	s7 =	simm.s32 @!p0 $0x108  }
0x21: {  	s3 =	sadd.s32 s3, s9;
	s6 =	sadd.s32 @!p0 $0x88, s6;
	s7 =	simm.s32 @p2 $0x1082  }
0x22: {  	[simem:s7], [sflag:s8] =	dma.local @!p0 [hbm:s6], $0xF7A  }
0x23: {  	s9 =	sor.u32 $0xD0000000, s2;
	s6 =	simm.s32 $0x108;
	_ =	swait.ge @!p0 [sflag:s8], $0x0  }
0x24: {  	s3 =	sadd.s32 $0x88, s3;
	s6 =	simm.s32 @!p1 $0x1082;
	[sflag:s4] =	ssyncset.s32 $0xFFFFF086  }
0x25: {  	[simem:s6], [sflag:s4] =	dma.local [hbm:s3], $0xF7A  }
0x26: {  	[smem:$0x3F9E] =	sst s1;
	(tag) =	ssettag s2;
	_ =	strace s9  }
0x27: {  	s1 =	sld [smem:$0x3FAE]  }
0x28: {  	s2 =	sld [smem:$0x3FAF]  }
0x29: {  	s4 =	sld [smem:$0x3FB1]  }
0x2a: {  	p0 =	seq.s32 s5, $0x0;
	s5 =	sld [smem:$0x3FB2]  }
0x2b: {  	s6 =	sld [smem:$0x3FB3]  }
0x2c: {  	s7 =	sld [smem:$0x3FB4]  }
0x2d: {  	s3 =	simm.s32 $0x108;
	s8 =	sld [smem:$0x3FB5]  }
0x2e: {  	s3 =	simm.s32 @!p0 $0x1082;
	s9 =	sld [smem:$0x3FB6]  }
0x2f: {  	lr =	sadd.s32 s0, s3;
	s0 =	sld [smem:$0x3FAD]  }
0x30: {  	s3 =	sld [smem:$0x3FB0]  }
0x31: {  	[smem:$0x3FB9] =	sst s10  }
0x32: {  	s10 =	sld [smem:$0x3FB7];
	_ =	sdelay $0x3  }
0x33: {  	p0 =	seq.s32 s10, $0x1;
	s10 =	sld [smem:$0x3FB9];
	_ =	sdelay $0x3  }
0x34: {  	[smem:$0x3FB9] =	sst s10  }
0x35: {  	s10 =	sld [smem:$0x3FB8];
	_ =	sdelay $0x3  }
0x36: {  	p1 =	seq.s32 s10, $0x1;
	s10 =	sld [smem:$0x3FB9];
	_ =	sdelay $0x3  }
0x37: {  	[smem:$0x3FB9] =	sst s10  }
0x38: {  	s10 =	sld [smem:$0x3FBA]  }
0x39: {  	_ = 	snop;
	(pc) =	sbr.ind lr, $3  }
0x3a: {  	_ = 	snop  }
0x3b: {  	_ = 	snop  }
0x3c: {  	p2 =	seq.s32 s10, $0x1;
	s10 =	sld [smem:$0x3FB9]  }
0x3d: {  	_ =	shalt  }
0x3e: {  	_ =	shalt  }
0x3f: {  	_ =	shalt  }
0x40: {  	_ =	shalt  }
0x41: {  	_ =	shalt  }
0x42: {  	_ =	shalt  }
0x43: {  	_ =	shalt  }
0x44: {  	_ =	shalt  }
0x45: {  	_ =	shalt  }
0x46: {  	_ =	shalt  }
0x47: {  	_ =	shalt  }
0x48: {  	_ =	shalt  }
0x49: {  	_ =	shalt  }
0x4a: {  	_ =	shalt  }
0x4b: {  	_ =	shalt  }
0x4c: {  	_ =	shalt  }
0x4d: {  	_ =	shalt  }
0x4e: {  	_ =	shalt  }
0x4f: {  	_ =	shalt  }
0x50: {  	_ =	shalt  }
0x51: {  	_ =	shalt  }
0x52: {  	_ =	shalt  }
0x53: {  	_ =	shalt  }
0x54: {  	_ =	shalt  }
0x55: {  	_ =	shalt  }
0x56: {  	_ =	shalt  }
0x57: {  	_ =	shalt  }
0x58: {  	_ =	shalt  }
0x59: {  	_ =	shalt  }
0x5a: {  	_ =	shalt  }
0x5b: {  	_ =	shalt  }
0x5c: {  	_ =	shalt  }
0x5d: {  	_ =	shalt  }
0x5e: {  	_ =	shalt  }
0x5f: {  	_ =	shalt  }
0x60: {  	_ =	shalt  }
0x61: {  	_ =	shalt  }
0x62: {  	_ =	shalt  }
0x63: {  	_ =	shalt  }
0x64: {  	_ =	shalt  }
0x65: {  	_ =	shalt  }
0x66: {  	_ =	shalt  }
0x67: {  	_ =	shalt  }
0x68: {  	_ =	shalt  }
0x69: {  	_ =	shalt  }
0x6a: {  	_ =	shalt  }
0x6b: {  	_ =	shalt  }
0x6c: {  	_ =	shalt  }
0x6d: {  	_ =	shalt  }
0x6e: {  	_ =	shalt  }
0x6f: {  	_ =	shalt  }
0x70: {  	_ =	shalt  }
0x71: {  	_ =	shalt  }
0x72: {  	_ =	shalt  }
0x73: {  	_ =	shalt  }
0x74: {  	_ =	shalt  }
0x75: {  	_ =	shalt  }
0x76: {  	_ =	shalt  }
0x77: {  	_ =	shalt  }
0x78: {  	_ =	shalt  }
0x79: {  	_ =	shalt  }
0x7a: {  	_ =	shalt  }
0x7b: {  	_ =	shalt  }
0x7c: {  	_ =	shalt  }
0x7d: {  	_ =	shalt  }
0x7e: {  	_ =	shalt  }
0x7f: {  	_ =	shalt  }
0x80: {  	_ =	shalt  }
0x81: {  	_ =	shalt  }
0x82: {  	_ =	shalt  }
0x83: {  	_ =	shalt  }
0x84: {  	_ =	shalt  }
0x85: {  	_ =	shalt  }
0x86: {  	_ =	shalt  }
0x87: {  	_ =	shalt  }
.Lfunc_end0:
.L_simem_size_0:
called_computation_lowered:
.L_overlay_start_0:
0x88: {  	s0 =	sld [smem:$0x3FD9]  }
0x89: {  	s1 =	sld [smem:$0x3FFE];
	_ =	sdelay $0x3  }
0x8a: {  	s0 =	sadd.s32 s1, s0  }
0x8b: {  	[smem:$0x3FC5] =	sst s0  }
0x8c: {  	_ = 	snop  }
0x8d: {  	s0 =	sld [smem:$0x3FD0];
	_ =	sdelay $0x1  }
0x8e: {  	s14 =	sld [smem:$0x3FC8]  }
0x8f: {  	s3 =	simm.s32 $0xA;
	s4 =	simm.s32 $0x10;
	s2 =	sld [smem:$0x3FC7]  }
0x90: {  	[smem:s4], [sflag:s3] =	dma.local [hbm:s0], $0x1  }
0x91: {  	_ =	swait.eq [sflag:s3], $0x1  }
0x92: {  	[sflag:s3] =	ssyncset.done $0x0  }
0x93: {  	[sflag:s3] =	ssyncadd.s32 $0xFFFFFFFF  }
0x94: {  	s15 =	sld [smem:$0x10];
	(tm) =	ssettm $0x1  }
0x95: {  	s16 =	sld [smem:$0x3FFB];
	_ =	sdelay $0x3  }
0x96: {  	_ =	strace s16  }
0x97: {  	s3 =	sld [smem:$0x3FFC];
	_ =	sdelay $0x3  }
0x98: {  	_ =	strace s3  }
0x99: {  	s3 =	sld [smem:$0x3FFD];
	_ =	sdelay $0x3  }
0x9a: {  	_ =	strace s3  }
0x9b: {  	_ =	strace $0x8FFFFFFF  }
0x9c: {  	s17 =	sld [smem:$0x3FDB];
	_ =	sdelay $0x1  }
0x9d: {  	s18 =	simm.s32 $_scs_section_size  }
0x9e: {  	s5 =	simm.s32 $_size__tile_overlayer_lowered;
	s6 =	simm.s32 $_tile_overlayer_lowered  }
0x9f: {  	s21 =	simm.s32 $0x1BFF;
	s20 =	sshll.u32 s6, $0x1;
	s3 =	sadd.s32 s18, s17  }
0xa0: {  	s7 =	simm.s32 $0x0;
	s19 =	sshll.u32 s5, $0x1;
	s5 =	sadd.s32 s20, s3  }
0xa1: {  	[timem:s7], [sflag:s21] =	dma.local [hbm:s5], s19  }
0xa2: {  	_ =	swait.ge [sflag:s21], s19  }
0xa3: {  	s4 =	ssub.s32 $0x0, s19;
	[sflag:s21] =	ssyncset.done $0x0  }
0xa4: {  	[sflag:s21] =	ssyncadd.s32 s4;
	_ =	sdelay $0x1  }
0xa5: {  	s22 =	simm.s32 $0x1B8B  }
0xa6: {  	_ =	swait.ge [sflag:s22], $0x1  }
0xa7: {  	[sflag:s22] =	ssyncset.done $0x0  }
0xa8: {  	s23 =	simm.s32 $0x1B8E;
	[sflag:s22] =	ssyncadd.s32 $0xFFFFFFFF  }
0xa9: {  	s24 =	simm.s32 $execute0_lowered;
	[smem:$0x3FD2] =	sst s23  }
0xaa: {  	s4 =	sshll.u32 s24, $0x1;
	_ =	strace $0x80000046;
	[dreg:$0x1] =	wrdreg $0xFFFFFFFF  }
0xab: {  	s25 =	simm.s32 $_size_execute0_lowered;
	s3 =	sadd.s32 s3, s4;
	[dreg:$0x0] =	wrdreg $0x0  }
0xac: {  	s4 =	sshll.u32 s25, $0x1;
	[dreg:$0x2] =	wrdreg s3  }
0xad: {  	[dreg:$0x3] =	wrdreg s4  }
0xae: {  	[dreg:$0x4] =	wrdreg $0xC0  }
0xaf: {  	_ =	task [dreg:s7], $0x5FFFF  }
0xb0: {  	[dreg:$0x1] =	wrdreg $0xFFFFFFFF  }
0xb1: {  	[dreg:$0x0] =	wrdreg $0x60  }
0xb2: {  	[dreg:$0x2] =	wrdreg s2  }
0xb3: {  	[dreg:$0x3] =	wrdreg s14  }
0xb4: {  	[dreg:$0x4] =	wrdreg s15  }
0xb5: {  	[dreg:$0x5] =	wrdreg $0x9  }
0xb6: {  	_ =	task.clear_ibuf [dreg:s7], $0x6FFFF;
	_ =	strace $0x90000046  }
0xb7: {  	s26 =	simm.s32 $0x9;
	_ =	strace $0x80000048  }
0xb8: {  	_ =	swait.ge [sflag:s26], $0x1  }
0xb9: {  	[sflag:s26] =	ssyncadd.s32 $0xFFFFFFFF  }
0xba: {  	_ =	strace $0x90000048  }
0xbb: {  	_ =	sfence  }
0xbc: {  	s28 =	sld [smem:$0x0];
	_ =	sdelay $0x1  }
0xbd: {  	s29 =	srdreg.scid  }
0xbe: {  	s30 =	sshll.u32 s29, $0xD;
	s31 =	sshrl.u32 s29, $0x2  }
0xbf: {  	s1 =	sand.u32 $0x1, s29;
	s2 =	sand.u32 $0x4000, s30;
	s0 =	sadd.s32 s31, s28  }
0xc0: {  	s1 =	sor.u32 s2, s1;
	s0 =	sshll.u32 s0, $0x11  }
0xc1: {  	s0 =	sor.u32 s0, s1  }
0xc2: {  	s0 =	sadd.s32 $0x8F2B, s0  }
0xc3: {  	[sflag:s0] =	ssyncadd.remote.s32 $0x1  }
0xc4: {  	_ =	sfence.sel $0xFFFF  }
0xc5: {  	[dreg:$0x0] =	wrdreg $0xFFFFFFFF;
	(pc) =	sbr.abs _section_cstart, $3  }
0xc6: {  	[dreg:$0x1] =	wrdreg $0xFFFFFFFF  }
0xc7: {  	_ =	task.clear_ibuf [dreg:s7], $0x2FFFF;
	_ =	strace $0x9FFFFFFF  }
0xc8: {  	(tm) =	ssettm $0x7FFFFFFF  }
0xc9: {  	_ =	shalt  }
tec
execute0_lowered:
.L_overlay_start_1:
0x0: {  	(tag) =	ssettag $0x1  }
0x1: {  	s3 =	rddreg [dreg:$0x0]  }
0x2: {  	s4 =	rddreg [dreg:$0x1];
	s0 =	stileid.u32  }
0x3: {  	s2 =	rddreg [dreg:$0x2];
	p0 =	sgt.u32 s0, $0xB  }
0x4: {  	s1 =	rddreg [dreg:$0x3];
	s5 =	simm.s32 $0x0;
	s6 =	smul.u32 @!p0 $0x6, s0  }
0x5: {  	[smem:$0x7FF] =	sst s5  }
0x6: {  	_ =	strace $0x80000047;
	s5 =	simm.s32 @!p0 $0x0;
	s4 =	sadd.s32 @!p0 s4, s6  }
0x7: {  	[tilespmem:s5], [sflag:$0x2] =	stream.linear.gather @!p0 [hbm4b:s4+s5], $0x30, $0x38;
	[tilespmem:$0x3080] =	vst v63  }
0x8: {  	s4 =	simm.s32 @!p0 $0x2  }
0x9: {  	_ =	swait.ge @!p0 [sflag:s4], $0x30  }
0xa: {  	[sflag:s4] =	ssyncset.done @!p0 $0x0  }
0xb: {  	[sflag:s4] =	ssyncadd.s32 @!p0 $0xFFFFFFD0  }
0xc: {  	v0 =	vld @!p0 [tilespmem:$0x0];
	_ =	sdelay $0x4  }
0xd: {  	v1 =	vshll.u32 @!p0 v0, $0x1  }
0xe: {  	v2 =	vlaneseq.u32 @!p0;
	v0 =	vand.u32 @!p0 $0x7, v0;
	v1 =	vand.u32 @!p0 $0xFFFFFFF0, v1  }
0xf: {  	v3 =	vshrl.u32 @!p0 v2, $0x3;
	v0 =	vor.u32 @!p0 v0, v1;
	v1 =	vand.u32 @!p0 $0x7, v2  }
0x10: {  	v3 =	vmul.u32 @!p0 $0x8, v3;
	v4 =	vperm.xlane @!p0 v0, v1  }
0x11: {  	v2 =	vor.u32 @!p0 $0x8, v2  }
0x12: {  	v0 =	vperm.xlane @!p0 v0, v2;
	v4 =	vadd.s32 @!p0 v3, v4;
	_ =	sdelay $0x1  }
0x13: {  	v0 =	vadd.s32 @!p0 v3, v0;
	_ =	sdelay $0x1  }
0x14: {  	vm0 =	vmmov @!p0 $0xffff;
	s6 =	simm.s32 @!p0 $0x80  }
0x15: {  	[tilespmem:s6], [sflag:$0x1] =	stream.indirect_vreg.gather @!p0 [hbm4b:s3+s5], $0x80, v4, vm0, $0xb8;
	[tilespmem:$0x3080] =	vst v63  }
0x16: {  	s7 =	simm.s32 @!p0 $0x880  }
0x17: {  	[tilespmem:s7], [sflag:$0x1] =	stream.indirect_vreg.gather @!p0 [hbm4b:s3+s5], $0x80, v0, vm0, $0xb8;
	[tilespmem:$0x3080] =	vst v63  }
0x18: {  	v0 =	vld @!p0 [tilespmem:$0x10];
	_ =	sdelay $0x4  }
0x19: {  	v4 =	vshll.u32 @!p0 v0, $0x1  }
0x1a: {  	v0 =	vand.u32 @!p0 $0x7, v0;
	v4 =	vand.u32 @!p0 $0xFFFFFFF0, v4  }
0x1b: {  	v0 =	vor.u32 @!p0 v0, v4  }
0x1c: {  	v4 =	vperm.xlane @!p0 v0, v1;
	_ =	sdelay $0x1  }
0x1d: {  	v0 =	vperm.xlane @!p0 v0, v2;
	v4 =	vadd.s32 @!p0 v3, v4;
	_ =	sdelay $0x1  }
0x1e: {  	v0 =	vadd.s32 @!p0 v3, v0;
	_ =	sdelay $0x1  }
0x1f: {  	s7 =	simm.s32 @!p0 $0x1080  }
0x20: {  	[tilespmem:s7], [sflag:$0x1] =	stream.indirect_vreg.gather @!p0 [hbm4b:s3+s5], $0x80, v4, vm0, $0xb8;
	[tilespmem:$0x3080] =	vst v63  }
0x21: {  	s7 =	simm.s32 @!p0 $0x1880  }
0x22: {  	[tilespmem:s7], [sflag:$0x1] =	stream.indirect_vreg.gather @!p0 [hbm4b:s3+s5], $0x80, v0, vm0, $0xb8;
	[tilespmem:$0x3080] =	vst v63  }
0x23: {  	v0 =	vld @!p0 [tilespmem:$0x20];
	_ =	sdelay $0x4  }
0x24: {  	v4 =	vshll.u32 @!p0 v0, $0x1  }
0x25: {  	v0 =	vand.u32 @!p0 $0x7, v0;
	v4 =	vand.u32 @!p0 $0xFFFFFFF0, v4  }
0x26: {  	v0 =	vor.u32 @!p0 v0, v4  }
0x27: {  	v1 =	vperm.xlane @!p0 v0, v1;
	_ =	sdelay $0x1  }
0x28: {  	v0 =	vperm.xlane @!p0 v0, v2;
	v1 =	vadd.s32 @!p0 v3, v1;
	_ =	sdelay $0x1  }
0x29: {  	v0 =	vadd.s32 @!p0 v3, v0;
	_ =	sdelay $0x1  }
0x2a: {  	s7 =	simm.s32 @!p0 $0x2080  }
0x2b: {  	[tilespmem:s7], [sflag:$0x1] =	stream.indirect_vreg.gather @!p0 [hbm4b:s3+s5], $0x80, v1, vm0, $0xb8;
	[tilespmem:$0x3080] =	vst v63  }
0x2c: {  	s7 =	simm.s32 @!p0 $0x2880  }
0x2d: {  	[tilespmem:s7], [sflag:$0x1] =	stream.indirect_vreg.gather @!p0 [hbm4b:s3+s5], $0x80, v0, vm0, $0xb8;
	[tilespmem:$0x3080] =	vst v63  }
0x2e: {  	s3 =	simm.s32 @!p0 $0x1  }
0x2f: {  	s7 =	smul.u32 @!p0 $0x600, s0;
	_ =	swait.ge @!p0 [sflag:s3], $0x3000  }
0x30: {  	[sflag:s3] =	ssyncset.done @!p0 $0x0  }
0x31: {  	s2 =	sadd.s32 @!p0 s2, s7;
	[sflag:s3] =	ssyncadd.s32 @!p0 $0xFFFFD000  }
0x32: {  	[hbm4b:s2+s5] =	stream.linear.scatter @!p0 [tilespmem:s6], [sflag:$0x2], $0x3000, $0x38;
	[tilespmem:$0x3080] =	vst v63  }
0x33: {  	_ =	swait.ge @!p0 [sflag:s4], $0x3000  }
0x34: {  	[sflag:s4] =	ssyncset.done @!p0 $0x0  }
0x35: {  	[sflag:s4] =	ssyncadd.s32 @!p0 $0xFFFFD000  }
0x36: {  	_ =	sfence.sel $0x180000  }
0x37: {  	[bflag:$0x0] =	sbarrier.arrive $0xFFFF  }
0x38: {  	p0 =	sne.s32 s0, $0x0;
	_ =	strace $0x90000047  }
0x39: {  	s0 =	sadd.s32 @!p0 $0x100000, s1;
	[bflag:$0x2] =	sbarrier.arrive $0xFFFF  }
0x3a: {  	[sflag:s0] =	ssyncadd.tile.s32 @!p0 $0x1;
	_ =	shalt  }
.Lfunc_end2:
_tile_overlayer_lowered:
.L_overlay_start_2:
0x3b: {  	(tag) =	ssettag $0x2  }
0x3c: {  	s0 =	rddreg [dreg:$0x0];
	s2 =	stileid.u32  }
0x3d: {  	s1 =	rddreg [dreg:$0x1];
	p0 =	sne.s32 s2, $0x0  }
0x3e: {  	s3 =	rddreg [dreg:$0x2];
	[bflag:$0x3] =	sbarrier.arrive $0xFFFF;
	s2 =	simm.s32 @!p0 $0x1C02  }
0x3f: {  	[timem:s3], [sflag:s2] =	dma.local @!p0 [hbm:s0], s1  }
0x40: {  	s0 =	simm.s32 @!p0 $0x2  }
0x41: {  	_ =	swait.ge @!p0 [sflag:s0], s1  }
0x42: {  	s1 =	ssub.s32 @!p0 $0x0, s1;
	[sflag:s0] =	ssyncset.done @!p0 $0x0  }
0x43: {  	[sflag:s0] =	ssyncadd.s32 @!p0 s1  }
0x44: {  	[bflag:$0x3] =	sbarrier.arrive $0xFFFF  }
0x45: {  	_ =	shalt  }

</sc_bundles>
